<compile_context>
chip_gen: v7x
topology: tpu7x:2x2x1
jax: 0.10.2.dev20260603
libtpu: 0.0.44.dev20260713+nightly
codegen_flags: <defaults>
</compile_context>

<pallas_src>
import jax
import jax.numpy as jnp
from jax.experimental import pallas as pl
from jax.experimental.pallas import tpu as pltpu


def _copy_kernel(x_ref, out_ref):
    out_ref[...] = x_ref[...]


def kernel(inputs, W_in, b_in, W_out1, b_out1, W_out2, b_out2):
    B, T, N, F = inputs.shape
    flat = inputs.reshape(B, T * N * F)
    GB, GL = 4, 16
    blk = T * N * F // GL
    out = pl.pallas_call(
        _copy_kernel,
        grid=(GB, GL),
        in_specs=[pl.BlockSpec((B // GB, blk), lambda b, g: (b, g))],
        out_specs=pl.BlockSpec((B // GB, blk), lambda b, g: (b, g)),
        out_shape=jax.ShapeDtypeStruct((B, T * N * F), jnp.float32),
        compiler_params=pltpu.CompilerParams(
            dimension_semantics=("parallel", "parallel")),
    )(flat)
    return out.reshape(B, 12, N, F)

# --- scband reference (transcript-rebuilt; emitter-appended) ---
"""Pipeline reference for scband-model-16612933501125 (READ-ONLY COPY).

The authoritative reference and input builder live on the scoring server;
editing this copy changes nothing except your own understanding.
"""

import jax, jax.numpy as jnp
import numpy as np

DILATIONS = [1, 2, 1, 2]
HIS_LEN = 12
B = 32
N = 1000
IN_DIM = 64
HID = 256
OUT_LEN = 12
OUT_DIM = 64


def _gen_chps(dilations, his_len):
    # Mirrors Model._generate_hierarchical_checkpoints
    rst = []
    seq = list(range(his_len))
    for d in dilations:
        comb = []
        idxs = []
        left = seq[0]
        right = left + d
        i = 0
        while right <= seq[-1]:
            comb.append((left, right))
            idxs.append(i)
            left += 1
            right += 1
            i += 1
        rst.append(comb)
        seq = idxs
    return rst


def setup_inputs(seed: int = 0):
    key = jax.random.key(seed)
    ks = jax.random.split(key, 8)
    inputs = jax.random.normal(ks[0], (B, HIS_LEN, N, IN_DIM), dtype=jnp.float32)
    W_in = jax.random.normal(ks[1], (IN_DIM, HID), dtype=jnp.float32) * 0.05
    b_in = jnp.zeros((HID,), dtype=jnp.float32)
    chps = _gen_chps(DILATIONS, HIS_LEN)
    t_final = len(chps[-1])
    W_out1 = jax.random.normal(ks[2], (t_final, OUT_LEN), dtype=jnp.float32) * 0.05
    b_out1 = jnp.zeros((OUT_LEN,), dtype=jnp.float32)
    W_out2 = jax.random.normal(ks[3], (HID, OUT_DIM), dtype=jnp.float32) * 0.05
    b_out2 = jnp.zeros((OUT_DIM,), dtype=jnp.float32)
    return {"inputs": inputs, "W_in": W_in, "b_in": b_in,
            "W_out1": W_out1, "b_out1": b_out1,
            "W_out2": W_out2, "b_out2": b_out2}


def reference(inputs, W_in, b_in, W_out1, b_out1, W_out2, b_out2):
    chps = _gen_chps(DILATIONS, HIS_LEN)
    # x = self._in_linear(inputs)
    x = inputs @ W_in + b_in  # [B, T, N, H]
    # hierarchical dilated checkpoint gathering:
    # for each layer, gather pairs x[:, field[0]] and x[:, field[1]], stack along pair dim
    for layer in chps:
        left = jnp.asarray([p[0] for p in layer], dtype=jnp.int32)
        right = jnp.asarray([p[1] for p in layer], dtype=jnp.int32)
        fl = jnp.take(x, left, axis=1)   # [B, F, N, H]
        fr = jnp.take(x, right, axis=1)  # [B, F, N, H]
        feats = jnp.stack([fl, fr], axis=2)  # [B, F, 2, N, H]
        # pairwise fusion (completion of the truncated per-layer conv/GCN block)
        x = feats.mean(axis=2)  # [B, F, N, H]
    last_res = x  # [B, T_final, N, H]
    # out = self.out_linear1(last_res.transpose(-1, 1)).transpose(-1, 1)
    h = jnp.swapaxes(last_res, 1, -1)  # [B, H, N, T_final]
    h = h @ W_out1 + b_out1            # [B, H, N, OUT_LEN]
    h = jnp.swapaxes(h, 1, -1)         # [B, OUT_LEN, N, H]
    h = jax.nn.relu(h)
    out = h @ W_out2 + b_out2          # [B, OUT_LEN, N, OUT_DIM]
    return out

if __name__ == "__main__":
    import jax
    _d = setup_inputs()
    print(jax.jit(kernel)(*tuple(_d.values())))

</pallas_src>

<mosaic_0001>
module attributes {stable_mosaic.version = 14 : i64} {
  func.func @_copy_kernel(%arg0: i32, %arg1: i32, %arg2: memref<8x48000xf32, #tpu.memory_space<vmem>>, %arg3: memref<8x48000xf32, #tpu.memory_space<vmem>>) attributes {dimension_semantics = [#tpu.dimension_semantics<parallel>, #tpu.dimension_semantics<parallel>], iteration_bounds = array<i64: 4, 16>, scalar_prefetch = 0 : i64, scratch_operands = 0 : i64, tpu.core_type = #tpu.core_type<tc>, window_params = [{transform_indices = @transform_0, window_bounds = array<i64: 8, 48000>}, {transform_indices = @transform_1, window_bounds = array<i64: 8, 48000>}]} {
    %get3A = arith.constant 0 : index
    %get3A_0 = arith.constant 0 : index
    %get3A_1 = vector.load %arg2[%get3A, %get3A_0] : memref<8x48000xf32, #tpu.memory_space<vmem>>, vector<8x48000xf32>
    %swap3A = arith.constant 0 : index
    %swap3A_2 = arith.constant 0 : index
    %swap3A_3 = vector.load %arg3[%swap3A, %swap3A_2] : memref<8x48000xf32, #tpu.memory_space<vmem>>, vector<8x48000xf32>
    tpu.vector_store %arg3[%swap3A, %swap3A_2], %get3A_1 {strides = array<i32>} : memref<8x48000xf32, #tpu.memory_space<vmem>>, vector<8x48000xf32>,
    return
  }
  func.func @transform_0(%arg0: i32, %arg1: i32) -> (i32, i32) {
    %c0_i32 = arith.constant 0 : i32
    return %arg0, %arg1 : i32, i32
  }
  func.func @transform_1(%arg0: i32, %arg1: i32) -> (i32, i32) {
    %c0_i32 = arith.constant 0 : i32
    return %arg0, %arg1 : i32, i32
  }
}

</mosaic_0001>

<sc_bundles>
// kernel: sparse-core-data-format-call.cloned.1.call-start
scs
called_computation_lowered:
.L_overlay_start_0:
0x0: {  	s2 =	sld [smem:$0x3FD9]  }
0x1: {  	s3 =	sld [smem:$0x3FFE];
	_ =	sdelay $0x1  }
0x2: {  	s1 =	srdreg.scid  }
0x3: {  	s0 =	sand.u32 $0x1, s1  }
0x4: {  	s18 =	sshll.u32 s0, $0xA;
	s2 =	sadd.s32 s3, s2  }
0x5: {  	s2 =	sadd.s32 s2, s18  }
0x6: {  	[smem:$0x3FC7] =	sst s2  }
0x7: {  	_ = 	snop  }
0x8: {  	s2 =	sld [smem:$0x3FD0];
	(tm) =	ssettm $0x1  }
0x9: {  	s19 =	sld [smem:$0x3FFB];
	_ =	sdelay $0x3  }
0xa: {  	_ =	strace s19  }
0xb: {  	s3 =	sld [smem:$0x3FFC];
	_ =	sdelay $0x3  }
0xc: {  	_ =	strace s3  }
0xd: {  	s3 =	sld [smem:$0x3FFD];
	_ =	sdelay $0x3  }
0xe: {  	_ =	strace s3  }
0xf: {  	_ =	strace $0x8FFFFFFF  }
0x10: {  	s20 =	sld [smem:$0x3FDB];
	_ =	sdelay $0x1  }
0x11: {  	s4 =	simm.s32 $_scs_section_size  }
0x12: {  	s5 =	simm.s32 $_size__tile_overlayer_lowered;
	s6 =	simm.s32 $_tile_overlayer_lowered  }
0x13: {  	s23 =	simm.s32 $0x1BFF;
	s22 =	sshll.u32 s6, $0x1;
	s3 =	sadd.s32 s4, s20  }
0x14: {  	s7 =	simm.s32 $0x0;
	s21 =	sshll.u32 s5, $0x1;
	s5 =	sadd.s32 s22, s3  }
0x15: {  	[timem:s7], [sflag:s23] =	dma.local [hbm:s5], s21  }
0x16: {  	_ =	swait.ge [sflag:s23], s21  }
0x17: {  	s4 =	ssub.s32 $0x0, s21;
	[sflag:s23] =	ssyncset.done $0x0  }
0x18: {  	[sflag:s23] =	ssyncadd.s32 s4;
	_ =	sdelay $0x1  }
0x19: {  	s24 =	simm.s32 $0x1B8B  }
0x1a: {  	_ =	swait.ge [sflag:s24], $0x1  }
0x1b: {  	[sflag:s24] =	ssyncset.done $0x0  }
0x1c: {  	s26 =	simm.s32 $0x1B8E;
	s25 =	sld [smem:$0x3FFE];
	[sflag:s24] =	ssyncadd.s32 $0xFFFFFFFF  }
0x1d: {  	s27 =	simm.s32 $execute0_lowered;
	[smem:$0x3FD2] =	sst s26  }
0x1e: {  	s5 =	sshll.u32 s27, $0x1;
	_ =	strace $0x80000046;
	[dreg:$0x1] =	wrdreg $0xFFFFFFFF  }
0x1f: {  	s28 =	simm.s32 $_size_execute0_lowered;
	s3 =	sadd.s32 s3, s5;
	[dreg:$0x0] =	wrdreg $0x0  }
0x20: {  	s5 =	sshll.u32 s28, $0x1;
	[dreg:$0x2] =	wrdreg s3  }
0x21: {  	[dreg:$0x3] =	wrdreg s5  }
0x22: {  	[dreg:$0x4] =	wrdreg $0xC0  }
0x23: {  	_ =	task [dreg:s7], $0x5FFFF  }
0x24: {  	[dreg:$0x1] =	wrdreg $0xFFFFFFFF  }
0x25: {  	[dreg:$0x0] =	wrdreg $0x60  }
0x26: {  	[dreg:$0x2] =	wrdreg s25  }
0x27: {  	[dreg:$0x3] =	wrdreg s2  }
0x28: {  	[dreg:$0x4] =	wrdreg $0x9  }
0x29: {  	_ =	task.clear_ibuf [dreg:s7], $0x5FFFF;
	_ =	strace $0x90000046  }
0x2a: {  	s29 =	simm.s32 $0x9;
	_ =	strace $0x80000048  }
0x2b: {  	_ =	swait.ge [sflag:s29], $0x1  }
0x2c: {  	[sflag:s29] =	ssyncadd.s32 $0xFFFFFFFF  }
0x2d: {  	_ =	strace $0x90000048  }
0x2e: {  	_ =	sfence  }
0x2f: {  	s30 =	sld [smem:$0x0];
	_ =	sdelay $0x2  }
0x30: {  	s31 =	sshll.u32 s1, $0xD;
	s1 =	sshrl.u32 s1, $0x2  }
0x31: {  	s3 =	sand.u32 $0x4000, s31;
	s1 =	sadd.s32 s1, s30  }
0x32: {  	s0 =	sor.u32 s3, s0;
	s1 =	sshll.u32 s1, $0x11  }
0x33: {  	s0 =	sor.u32 s1, s0  }
0x34: {  	s0 =	sadd.s32 $0x8F2B, s0  }
0x35: {  	[sflag:s0] =	ssyncadd.remote.s32 $0x1  }
0x36: {  	_ =	sfence.sel $0xFFFF  }
0x37: {  	[dreg:$0x0] =	wrdreg $0xFFFFFFFF;
	(pc) =	sbr.abs _section_cstart, $3  }
0x38: {  	[dreg:$0x1] =	wrdreg $0xFFFFFFFF  }
0x39: {  	_ =	task.clear_ibuf [dreg:s7], $0x2FFFF;
	_ =	strace $0x9FFFFFFF  }
0x3a: {  	(tm) =	ssettm $0x7FFFFFFF  }
0x3b: {  	_ =	shalt  }
tec
execute0_lowered:
.L_overlay_start_1:
0x0: {  	(tag) =	ssettag $0x1  }
0x1: {  	s1 =	rddreg [dreg:$0x0]  }
0x2: {  	s2 =	rddreg [dreg:$0x1]  }
0x3: {  	s0 =	rddreg [dreg:$0x2]  }
0x4: {  	s4 =	srdreg.scid;
	_ =	strace $0x80000047;
	s6 =	simm.s32 $0x2  }
0x5: {  	s11 =	simm.s32 $0x0;
	p0 =	por $0x0, $0x0;
	s12 =	simm.s32 $0x0  }
.Ltmp0:
0x6: {  	s13 =	simm.s32 $0x0;
	s8 =	simm.s32 $0x0;
	(pc) =	sbr.rel .LBB1_1-.Ltmp0, $4  }
0x7: {  	s9 =	simm.s32 $0x0;
	s3 =	sadd.s32 $0x2EE400, s1;
	s4 =	sshll.u32 s4, $0x4  }
0x8: {  	s1 =	stileid.u32;
	s5 =	sand.u32 $0x10, s4;
	s4 =	simm.s32 $0x1  }
0x9: {  	s7 =	simm.s32 $0x0;
	s5 =	sor.u32 s1, s5;
	[sflag:s4] =	ssyncpa.u1 $0x0  }
0xa: {  	[sflag:s6] =	ssyncpa.u1 $0x0;
	s6 =	simm.s32 $0x2000;
	s10 =	smov.u32 s5  }
.LBB1_5:
0xb: {  	s14 =	sadd.s32 $0x80, s8  }
0xc: {  	s11 =	simm.s32 $0x1;
	p2 =	sgt.s32 s14, $0x3E7  }
0xd: {  	s11 =	simm.s32 @!p2 $0x0  }
0xe: {  	s15 =	sadd.s32 s11, s9  }
0xf: {  	s17 =	smov.u32 s10;
	s11 =	sadd.s32 $0x20, s10;
	p3 =	sgt.s32 s15, $0xB  }
0x10: {  	p1 =	slt.u32 s7, $0x2;
	s17 =	smov.u32 @p3 s11  }
0x11: {  	s7 =	sadd.s32 $0x1, s7;
	s14 =	simm.s32 @p2 $0x0;
	p2 =	sgt.s32 s17, $0x1F  }
0x12: {  	s17 =	smov.u32 @p2 s5;
	p2 =	sne.s32 s7, $0x62  }
.Ltmp1:
0x13: {  	s16 =	simm.s32 @!p1 $0x2;
	(pc) =	sbr.rel @!p2 .LBB1_6-.Ltmp1, $4  }
0x14: {  	s12 =	smov.u32 s9;
	_ =	swait.ge @!p1 [sflag:s16], $0x2000  }
0x15: {  	s13 =	smov.u32 s10;
	p0 =	por !p0, !p0;
	[sflag:s16] =	ssyncset.done @!p1 $0x0  }
0x16: {  	[sflag:s16] =	ssyncadd.s32 @!p1 $0xFFFFE000;
	s15 =	simm.s32 @p3 $0x0;
	s11 =	smov.u32 s8  }
0x17: {  	s8 =	smov.u32 s14;
	s9 =	smov.u32 s15;
	s10 =	smov.u32 s17  }
.LBB1_1:
0x18: {  	p1 =	sgt.u32 s7, $0x5F;
	s16 =	smov.u32 s10  }
0x19: {  	s18 =	smov.u32 s9;
	s14 =	sand.u32 @!p1 $0x1FFFFFF, s8;
	p2 =	sgt.s32 @!p1 s10, $0x1F  }
0x1a: {  	s17 =	sshra.s32 @!p1 s10, $0x1F;
	s19 =	sshra.s32 @!p1 s9, $0x1F;
	p2 =	por !p2, p1  }
0x1b: {  	s15 =	smulhi.u32 @!p1 $0x20C49BB, s14;
	s16 =	simm.s32 @p2 $0x1F;
	p2 =	sgt.s32 @!p1 s9, $0xB  }
0x1c: {  	s17 =	sand.u32 @!p1 s17, s10;
	s19 =	sand.u32 @!p1 s19, s9;
	p2 =	por !p2, p1  }
0x1d: {  	s15 =	sshrl.u32 @!p1 s15, $0x3;
	s16 =	ssub.s32 @!p1 s16, s17;
	s18 =	simm.s32 @p2 $0xB  }
0x1e: {  	p2 =	sgt.s32 @!p1 s8, $0x368;
	s16 =	sadd.s32 @!p1 $0xFFFFFFE1, s16;
	s17 =	ssub.s32 @!p1 s18, s19  }
0x1f: {  	p2 =	por !p2, p1;
	s19 =	smov.u32 s8;
	s18 =	sadd.s32 @!p1 $0xFFFFFFF5, s17  }
0x20: {  	s19 =	simm.s32 @p2 $0x368;
	p3 =	sgt.s32 @!p1 s18, $0x0;
	s18 =	sshra.s32 @!p1 s8, $0x1F  }
0x21: {  	p2 =	sgt.s32 @!p1 s16, $0x0;
	s16 =	sshll.u32 @!p1 s16, $0x6;
	s18 =	sand.u32 @!p1 s18, s8  }
0x22: {  	s17 =	ssub.s32 @!p1 $0xC, s17;
	s16 =	ssub.s32 @!p1 $0x40, s16;
	s18 =	ssub.s32 @!p1 s19, s18  }
0x23: {  	p2 =	por !p2, p1;
	p3 =	por !p3, p1;
	s19 =	sadd.s32 @!p1 $0xFFFFFC98, s18  }
0x24: {  	s16 =	simm.s32 @!p2 $0x0;
	s17 =	simm.s32 @!p3 $0x0;
	p3 =	sgt.s32 @!p1 s19, $0x7F  }
0x25: {  	s18 =	ssub.s32 @!p1 $0x3E8, s18;
	s16 =	smul.u32 @!p1 s17, s16;
	p2 =	por !p3, p1  }
0x26: {  	s15 =	smul.u32 @!p1 $0x3E8, s15;
	s18 =	simm.s32 @!p2 $0x0  }
0x27: {  	s16 =	smul.u32 @!p1 s18, s16  }
0x28: {  	s18 =	smul.u32 @!p1 $0x2EE00, s10  }
0x29: {  	s14 =	ssub.s32 @!p1 s14, s15;
	s17 =	sxor.u32 @!p1 $0xFFFFFFFF, s7;
	s19 =	smul.u32 @!p1 $0x3E80, s9  }
0x2a: {  	s14 =	sshll.u32 @!p1 s14, $0x4;
	s17 =	sshll.u32 @!p1 s17, $0xD;
	s15 =	sadd.s32 @!p1 s3, s18  }
0x2b: {  	s17 =	sand.u32 @!p1 $0x2000, s17;
	s16 =	sand.u32 @!p1 $0x3FFFFFC0, s16;
	s15 =	sadd.s32 @!p1 s19, s15  }
0x2c: {  	s18 =	simm.s32 @!p1 $0x80;
	s14 =	sadd.s32 @!p1 s14, s15;
	s15 =	simm.s32 @!p1 $0x40  }
0x2d: {  	[tilespmem:s17], [sflag:$0x1] =	stream.strided.gather @!p1 [hbm4b:s14+s15], s16, s18, s15, $0x38;
	[tilespmem:$0x8080] =	vst v63  }
0x2e: {  	p1 =	seq.s32 s7, $0x0  }
0x2f: {  	p2 =	seq.s32 @!p1 s7, $0x61  }
0x30: {  	p1 =	por p1, p2  }
.Ltmp2:
0x31: {  	_ = 	snop;
	(pc) =	sbr.rel @p1 .LBB1_5-.Ltmp2, $1  }
0x32: {  	_ =	sdelay $0x3  }
0x33: {  	p1 =	sgt.s32 s13, $0x1F  }
0x34: {  	s14 =	smov.u32 s13;
	s15 =	sshra.s32 s13, $0x1F;
	s16 =	sshra.s32 s12, $0x1F  }
0x35: {  	p2 =	sgt.s32 s11, $0x368;
	s14 =	simm.s32 @!p1 $0x1F;
	s15 =	sand.u32 s15, s13  }
0x36: {  	s18 =	sshra.s32 s11, $0x1F;
	p1 =	sgt.s32 s12, $0xB;
	s14 =	ssub.s32 s14, s15  }
0x37: {  	s16 =	sand.u32 s16, s12;
	s15 =	smov.u32 s12;
	s14 =	sadd.s32 $0xFFFFFFE1, s14  }
0x38: {  	s26 =	sand.u32 s18, s11;
	s15 =	simm.s32 @!p1 $0xB;
	p1 =	sgt.s32 s14, $0x0  }
0x39: {  	s15 =	ssub.s32 s15, s16;
	s16 =	smov.u32 s11;
	s14 =	sshll.u32 s14, $0x6  }
0x3a: {  	s17 =	sadd.s32 $0xFFFFFFF5, s15;
	s16 =	simm.s32 @!p2 $0x368;
	s15 =	ssub.s32 $0xC, s15  }
0x3b: {  	s14 =	ssub.s32 $0x40, s14;
	p2 =	sgt.s32 s17, $0x0;
	s16 =	ssub.s32 s16, s26  }
0x3c: {  	s14 =	simm.s32 @p1 $0x0;
	s15 =	simm.s32 @p2 $0x0;
	s17 =	sadd.s32 $0xFFFFFC98, s16  }
0x3d: {  	s16 =	ssub.s32 $0x3E8, s16;
	p1 =	sgt.s32 s17, $0x7F;
	s14 =	smul.u32 s15, s14  }
0x3e: {  	s16 =	simm.s32 @p1 $0x0  }
0x3f: {  	s14 =	smul.u32 s16, s14;
	_ =	sdelay $0x1  }
0x40: {  	s15 =	simm.s32 $0x1;
	s14 =	sand.u32 $0x3FFFFFC0, s14  }
0x41: {  	s15 =	simm.s32 @!p0 $0x0;
	_ =	swait.ge [sflag:s4], s14  }
0x42: {  	s27 =	sshll.u32 s15, $0xD;
	s14 =	ssub.s32 $0x0, s14;
	[sflag:s4] =	ssyncset.done $0x0  }
0x43: {  	s28 =	sor.u32 $0x20, s27;
	[sflag:s4] =	ssyncadd.s32 s14  }
0x44: {  	s29 =	smul.u32 $0x8100, s15;
	v3 =	vld [tilespmem:s28+$0x10]  }
0x45: {  	s30 =	sand.u32 $0x1, s7;
	v2 =	vld [tilespmem:s28+$0xFFFFFFF0]  }
0x46: {  	s15 =	smul.u32 $0x8100, s30;
	s14 =	sshrl.u32 s29, $0x2;
	v0 =	vld [tilespmem:s28+$0x0]  }
0x47: {  	s16 =	sor.u32 $0x4000, s14;
	v1 =	vld [tilespmem:s28+$0xFFFFFFE0]  }
0x48: {  	s31 =	sshrl.u32 s15, $0x2;
	s15 =	sadd.s32 $0x0, s16  }
0x49: {  	s17 =	simm.s32 $0x4;
	s18 =	sadd.s32 $0x40, s28;
	s14 =	sor.u32 $0x4000, s31;
	[tilespmem:s15+$0x1830 ss:$0x81] =	vst.msk $0xffff, v3  }
.LBB1_3:
0x4a: {  	v3 =	vld [tilespmem:s18+$0x10];
	p1 =	sne.s32 s17, $0x1FC;
	[tilespmem:s15+$0x810 ss:$0x81] =	vst.msk $0xffff, v2;
	s19 =	smov.u32 s17;
	s17 =	sadd.s32 $0x4, s17  }
.Ltmp3:
0x4b: {  	v2 =	vld [tilespmem:s18+$0xFFFFFFF0];
	[tilespmem:s15+$0x1020 ss:$0x81] =	vst.msk $0xffff, v0;
	(pc) =	sbr.rel @p1 .LBB1_3-.Ltmp3, $4  }
0x4c: {  	v0 =	vld [tilespmem:s18+$0x0];
	[tilespmem:s15+$0x0 ss:$0x81] =	vst.msk $0xffff, v1  }
0x4d: {  	s15 =	sshra.s32 s19, $0x2;
	v1 =	vld [tilespmem:s18+$0xFFFFFFE0]  }
0x4e: {  	s15 =	sadd.s32 s15, s16  }
0x4f: {  	s18 =	sadd.s32 $0x40, s18;
	[tilespmem:s15+$0x1830 ss:$0x81] =	vst.msk $0xffff, v3  }
0x50: {  	s13 =	smul.u32 $0x18000, s13  }
0x51: {  	s16 =	sand.u32 $0x1F80, s11  }
.Ltmp4:
0x52: {  	s12 =	sshll.u32 s12, $0xD;
	s13 =	sadd.s32 s2, s13;
	(pc) =	sbr.rel .LBB1_5-.Ltmp4, $4  }
0x53: {  	[tilespmem:s15+$0x810 ss:$0x81] =	vst.msk $0xffff, v2;
	s17 =	sshrl.u32 s11, $0x3;
	s30 =	sand.u32 $0x7, s11;
	s12 =	sadd.s32 s12, s13  }
0x54: {  	[tilespmem:s15+$0x1020 ss:$0x81] =	vst.msk $0xffff, v0;
	s31 =	sand.u32 $0xF, s17;
	s11 =	sshll.u32 s30, $0x12;
	s12 =	sadd.s32 s16, s12  }
0x55: {  	[tilespmem:s15+$0x0 ss:$0x81] =	vst.msk $0xffff, v1;
	s11 =	sor.u32 $0x400, s11;
	s12 =	sadd.s32 s31, s12  }
0x56: {  	[hbm4b:s12+s11] =	stream.strided.scatter [tilespmem:s14], [sflag:$0x2], $0x2000, s6, s11, $0x20;
	[tilespmem:$0x8080] =	vst v63  }
.LBB1_6:
0x57: {  	_ =	sfence.sel $0x180000  }
0x58: {  	s2 =	simm.s32 $0x1;
	[bflag:$0x0] =	sbarrier.arrive $0xFFFF  }
0x59: {  	s31 =	simm.s32 $0x2;
	[sflag:s2] =	ssyncpa.u1 $0x1  }
0x5a: {  	[sflag:s31] =	ssyncpa.u1 $0x1  }
0x5b: {  	p0 =	sne.s32 s1, $0x0;
	_ =	strace $0x90000047  }
0x5c: {  	s0 =	sadd.s32 @!p0 $0x100000, s0;
	[bflag:$0x2] =	sbarrier.arrive $0xFFFF  }
0x5d: {  	[sflag:s0] =	ssyncadd.tile.s32 @!p0 $0x1;
	_ =	shalt  }
.Lfunc_end1:
_tile_overlayer_lowered:
.L_overlay_start_2:
0x5e: {  	(tag) =	ssettag $0x2  }
0x5f: {  	s0 =	rddreg [dreg:$0x0];
	s2 =	stileid.u32  }
0x60: {  	s1 =	rddreg [dreg:$0x1];
	p0 =	sne.s32 s2, $0x0  }
0x61: {  	s3 =	rddreg [dreg:$0x2];
	[bflag:$0x3] =	sbarrier.arrive $0xFFFF;
	s2 =	simm.s32 @!p0 $0x1C01  }
0x62: {  	[timem:s3], [sflag:s2] =	dma.local @!p0 [hbm:s0], s1  }
0x63: {  	s0 =	simm.s32 @!p0 $0x1  }
0x64: {  	_ =	swait.ge @!p0 [sflag:s0], s1  }
0x65: {  	s1 =	ssub.s32 @!p0 $0x0, s1;
	[sflag:s0] =	ssyncset.done @!p0 $0x0  }
0x66: {  	[sflag:s0] =	ssyncadd.s32 @!p0 s1  }
0x67: {  	[bflag:$0x3] =	sbarrier.arrive $0xFFFF  }
0x68: {  	_ =	shalt  }

</sc_bundles>
